<compile_context>
chip_gen: v7x
topology: tpu7x:2x2x1
jax: 0.10.2.dev20260603
libtpu: 0.0.44.dev20260713+nightly
codegen_flags: <defaults>
</compile_context>

<pallas_src>
import functools

import jax
import jax.numpy as jnp
from jax import lax
from jax.experimental import pallas as pl
from jax.experimental.pallas import tpu as pltpu
from jax.experimental.pallas import tpu_sc as plsc

DIM = 64

_info = plsc.get_sparse_core_info()
_NC, _NS = _info.num_cores, _info.num_subcores
_NW = _NC * _NS

_CHUNK = 128
_NBUF = 4


@jax.jit
def _gather_pallas(fused, idx):
    n = idx.shape[0]
    b_per_w = n // _NW
    n_stages = b_per_w // _CHUNK

    mesh = plsc.VectorSubcoreMesh(core_axis_name="c", subcore_axis_name="s")

    @functools.partial(
        pl.kernel,
        mesh=mesh,
        out_type=jax.ShapeDtypeStruct((n, 2 * DIM), jnp.float32),
        scratch_types=[
            pltpu.VMEM((b_per_w,), jnp.int32),
            pltpu.VMEM((_NBUF * _CHUNK, 2 * DIM), jnp.float32),
            pltpu.SemaphoreType.DMA,
            pltpu.SemaphoreType.DMA,
        ],
    )
    def k(fused_hbm, idx_hbm, out_hbm, idx_v, rows_v, gsem, osem):
        wid = lax.axis_index("s") * _NC + lax.axis_index("c")
        base = wid * b_per_w
        pltpu.sync_copy(idx_hbm.at[pl.ds(base, b_per_w)], idx_v)

        def buf(s):
            return rows_v.at[pl.ds((s % _NBUF) * _CHUNK, _CHUNK)]

        def fire(s):
            idx_c = idx_v.at[pl.ds(s * _CHUNK, _CHUNK)]
            return pltpu.async_copy(fused_hbm.at[idx_c], buf(s), gsem)

        def start_out(s):
            dst = out_hbm.at[pl.ds(base + s * _CHUNK, _CHUNK)]
            return pltpu.async_copy(buf(s), dst, osem)

        g_desc = [None] * n_stages
        o_desc = [None] * n_stages
        for s in range(min(_NBUF, n_stages)):
            g_desc[s] = fire(s)
        for s in range(n_stages):
            g_desc[s].wait()
            o_desc[s] = start_out(s)
            p = s - 1
            if p >= 0 and p + _NBUF < n_stages:
                o_desc[p].wait()
                g_desc[p + _NBUF] = fire(p + _NBUF)
        for s in range(max(0, n_stages - _NBUF), n_stages):
            o_desc[s].wait()

    return k(fused, idx)


def kernel(x, position_ids, cos_cached, sin_cached):
    b, s = position_ids.shape
    idx = position_ids.reshape(-1).astype(jnp.int32)
    fused = jnp.concatenate([cos_cached, sin_cached], axis=1)
    out = _gather_pallas(fused, idx)
    cos = out[:, :DIM].reshape(b, s, DIM).astype(x.dtype)
    sin = out[:, DIM:].reshape(b, s, DIM).astype(x.dtype)
    return (cos, sin)

# --- scband reference (transcript-rebuilt; emitter-appended) ---
"""Pipeline reference for scband-hf-mistral4-rotary-embedding-17085379904038 (READ-ONLY COPY).

The authoritative reference and input builder live on the scoring server;
editing this copy changes nothing except your own understanding.
"""

import jax, jax.numpy as jnp
import numpy as np
import math

DIM = 64
BASE = 10000.0
SCALE = 40.0
BETA_FAST = 32.0
BETA_SLOW = 1.0
MSCALE = 1.0
MSCALE_ALL_DIM = 1.0
ORIG_MAX_POS = 4096
MAX_POS = 8192

def _find_correction_dim(num_rotations, dim, base, max_position_embeddings):
    return dim * math.log(max_position_embeddings / (num_rotations * 2 * math.pi)) / (2 * math.log(base))

def _find_correction_range(low_rot, high_rot, dim, base, max_position_embeddings):
    low = math.floor(_find_correction_dim(low_rot, dim, base, max_position_embeddings))
    high = math.ceil(_find_correction_dim(high_rot, dim, base, max_position_embeddings))
    return max(low, 0), min(high, dim - 1)

def _get_mscale(scale, mscale):
    if scale <= 1:
        return 1.0
    return 0.1 * mscale * math.log(scale) + 1.0

def _build_cache():
    dim = DIM
    freq_extra = 1.0 / BASE ** (np.arange(0, dim, 2, dtype=np.float32) / dim)
    freq_inter = 1.0 / (SCALE * BASE ** (np.arange(0, dim, 2, dtype=np.float32) / dim))
    low, high = _find_correction_range(BETA_FAST, BETA_SLOW, dim, BASE, ORIG_MAX_POS)
    mask = 1.0 - np.clip((np.arange(dim // 2, dtype=np.float32) - low) / max(high - low, 0.001), 0.0, 1.0)
    inv_freq = freq_inter * (1.0 - mask) + freq_extra * mask
    t = np.arange(MAX_POS, dtype=np.float32)
    freqs = np.outer(t, inv_freq)
    emb = np.concatenate([freqs, freqs], axis=-1)
    ms = _get_mscale(SCALE, MSCALE) / _get_mscale(SCALE, MSCALE_ALL_DIM)
    cos_cached = jnp.asarray(np.cos(emb) * ms, dtype=jnp.float32)
    sin_cached = jnp.asarray(np.sin(emb) * ms, dtype=jnp.float32)
    return cos_cached, sin_cached

def setup_inputs(seed: int = 0) -> dict:
    key = jax.random.key(seed)
    k1, k2 = jax.random.split(key)
    x = jax.random.normal(k1, (4, 8192, 64), dtype=jnp.float32)
    position_ids = jax.random.randint(k2, (4, 8192), 0, MAX_POS, dtype=jnp.int64 if jax.config.jax_enable_x64 else jnp.int32)
    cos_cached, sin_cached = _build_cache()
    return {"x": x, "position_ids": position_ids, "cos_cached": cos_cached, "sin_cached": sin_cached}

def reference(x, position_ids, cos_cached, sin_cached):
    cos = jnp.take(cos_cached, position_ids, axis=0).astype(x.dtype)
    sin = jnp.take(sin_cached, position_ids, axis=0).astype(x.dtype)
    return (cos, sin)

if __name__ == "__main__":
    import jax
    _d = setup_inputs()
    print(jax.jit(kernel)(*tuple(_d.values())))

</pallas_src>

<mosaic_0001>
#map = affine_map<(d0, d1) -> (0, 0)>
#map1 = affine_map<(d0, d1) -> (0)>
module attributes {stable_mosaic.version = 14 : i64} {
  func.func @k(%arg0: i32, %arg1: i32, %arg2: memref<8192x128xf32, #tpu.memory_space<hbm>>, %arg3: memref<32768xi32, #tpu.memory_space<hbm>>, %arg4: memref<32768x128xf32, #tpu.memory_space<hbm>>, %arg5: memref<1024xi32, #tpu.memory_space<vmem>>, %arg6: memref<512x128xf32, #tpu.memory_space<vmem>>, %arg7: memref<!tpu.dma_semaphore, #tpu.memory_space<semaphore_mem>>, %arg8: memref<!tpu.dma_semaphore, #tpu.memory_space<semaphore_mem>>) attributes {dimension_semantics = [#tpu.dimension_semantics<core_parallel>, #tpu.dimension_semantics<subcore_parallel>], iteration_bounds = array<i64: 2, 16>, scalar_prefetch = 0 : i64, scratch_operands = 4 : i64, tpu.core_type = #tpu.core_type<sc_vector_subcore>, window_params = [{transform_indices = #map}, {transform_indices = #map1}, {transform_indices = #map}]} {
    %mul3A = arith.constant 2 : i32
    %mul3A_0 = arith.muli %arg1, %mul3A : i32
    %add3A = arith.addi %mul3A_0, %arg0 : i32
    %mul3A_1 = arith.constant 1024 : i32
    %mul3A_2 = arith.muli %add3A, %mul3A_1 : i32
    "tpu.region"() ({
      %run_scoped3A = tpu.sem_alloc : memref<!tpu.dma_semaphore, #tpu.memory_space<semaphore_mem>>
      %dma_start3A_305 = tpu.memref_slice %arg3[%mul3A_2] : memref<32768xi32, #tpu.memory_space<hbm>> -> memref<1024xi32, #tpu.memory_space<hbm>>
      %dma_start3A_306 = tpu.memref_slice %arg3[%mul3A_2] : memref<32768xi32, #tpu.memory_space<hbm>> -> memref<1024xi32, #tpu.memory_space<hbm>>
      tpu.enqueue_dma source(%dma_start3A_306 : memref<1024xi32, #tpu.memory_space<hbm>>) target(%arg5 : memref<1024xi32, #tpu.memory_space<vmem>>) target_semaphore(%run_scoped3A : memref<!tpu.dma_semaphore, #tpu.memory_space<semaphore_mem>>)
      %dma_wait3A_307 = tpu.memref_slice %arg3[%mul3A_2] : memref<32768xi32, #tpu.memory_space<hbm>> -> memref<1024xi32, #tpu.memory_space<hbm>>
      %dma_wait3A_308 = tpu.memref_slice %arg3[%mul3A_2] : memref<32768xi32, #tpu.memory_space<hbm>> -> memref<1024xi32, #tpu.memory_space<hbm>>
      tpu.wait_dma2 semaphore(%run_scoped3A : memref<!tpu.dma_semaphore, #tpu.memory_space<semaphore_mem>>) src(%dma_wait3A_308 : memref<1024xi32, #tpu.memory_space<hbm>>) dst(%arg5 : memref<1024xi32, #tpu.memory_space<vmem>>)
      tpu.yield
    }) : () -> ()
    %dma_start3A = arith.constant 0 : i32
    %dma_start3A_3 = arith.constant 0 : i32
    %dma_start3A_4 = tpu.memref_slice %arg6[%dma_start3A, %dma_start3A_3] : memref<512x128xf32, #tpu.memory_space<vmem>> -> memref<128x128xf32, #tpu.memory_space<vmem>>
    %dma_start3A_5 = arith.constant 0 : i32
    %dma_start3A_6 = tpu.memref_slice %arg5[%dma_start3A_5] : memref<1024xi32, #tpu.memory_space<vmem>> -> memref<128xi32, #tpu.memory_space<vmem>>
    %dma_start3A_7 = arith.constant 0 : i32
    %dma_start3A_8 = arith.constant 0 : i32
    %dma_start3A_9 = tpu.memref_slice %arg2[%dma_start3A_7, %dma_start3A_8] : memref<8192x128xf32, #tpu.memory_space<hbm>> -> memref<8192x128xf32, #tpu.memory_space<hbm>>
    tpu.enqueue_indirect_dma source(%dma_start3A_9 : memref<8192x128xf32, #tpu.memory_space<hbm>>) target(%dma_start3A_4 : memref<128x128xf32, #tpu.memory_space<vmem>>) offsets(%dma_start3A_6 : memref<128xi32, #tpu.memory_space<vmem>>) semaphore(%arg7 : memref<!tpu.dma_semaphore, #tpu.memory_space<semaphore_mem>>)
    %dma_start3A_10 = arith.constant 128 : i32
    %dma_start3A_11 = arith.constant 0 : i32
    %dma_start3A_12 = tpu.memref_slice %arg6[%dma_start3A_10, %dma_start3A_11] : memref<512x128xf32, #tpu.memory_space<vmem>> -> memref<128x128xf32, #tpu.memory_space<vmem>>
    %dma_start3A_13 = arith.constant 128 : i32
    %dma_start3A_14 = tpu.memref_slice %arg5[%dma_start3A_13] : memref<1024xi32, #tpu.memory_space<vmem>> -> memref<128xi32, #tpu.memory_space<vmem>>
    %dma_start3A_15 = arith.constant 0 : i32
    %dma_start3A_16 = arith.constant 0 : i32
    %dma_start3A_17 = tpu.memref_slice %arg2[%dma_start3A_15, %dma_start3A_16] : memref<8192x128xf32, #tpu.memory_space<hbm>> -> memref<8192x128xf32, #tpu.memory_space<hbm>>
    tpu.enqueue_indirect_dma source(%dma_start3A_17 : memref<8192x128xf32, #tpu.memory_space<hbm>>) target(%dma_start3A_12 : memref<128x128xf32, #tpu.memory_space<vmem>>) offsets(%dma_start3A_14 : memref<128xi32, #tpu.memory_space<vmem>>) semaphore(%arg7 : memref<!tpu.dma_semaphore, #tpu.memory_space<semaphore_mem>>)
    %dma_start3A_18 = arith.constant 256 : i32
    %dma_start3A_19 = arith.constant 0 : i32
    %dma_start3A_20 = tpu.memref_slice %arg6[%dma_start3A_18, %dma_start3A_19] : memref<512x128xf32, #tpu.memory_space<vmem>> -> memref<128x128xf32, #tpu.memory_space<vmem>>
    %dma_start3A_21 = arith.constant 256 : i32
    %dma_start3A_22 = tpu.memref_slice %arg5[%dma_start3A_21] : memref<1024xi32, #tpu.memory_space<vmem>> -> memref<128xi32, #tpu.memory_space<vmem>>
    %dma_start3A_23 = arith.constant 0 : i32
    %dma_start3A_24 = arith.constant 0 : i32
    %dma_start3A_25 = tpu.memref_slice %arg2[%dma_start3A_23, %dma_start3A_24] : memref<8192x128xf32, #tpu.memory_space<hbm>> -> memref<8192x128xf32, #tpu.memory_space<hbm>>
    tpu.enqueue_indirect_dma source(%dma_start3A_25 : memref<8192x128xf32, #tpu.memory_space<hbm>>) target(%dma_start3A_20 : memref<128x128xf32, #tpu.memory_space<vmem>>) offsets(%dma_start3A_22 : memref<128xi32, #tpu.memory_space<vmem>>) semaphore(%arg7 : memref<!tpu.dma_semaphore, #tpu.memory_space<semaphore_mem>>)
    %dma_start3A_26 = arith.constant 384 : i32
    %dma_start3A_27 = arith.constant 0 : i32
    %dma_start3A_28 = tpu.memref_slice %arg6[%dma_start3A_26, %dma_start3A_27] : memref<512x128xf32, #tpu.memory_space<vmem>> -> memref<128x128xf32, #tpu.memory_space<vmem>>
    %dma_start3A_29 = arith.constant 384 : i32
    %dma_start3A_30 = tpu.memref_slice %arg5[%dma_start3A_29] : memref<1024xi32, #tpu.memory_space<vmem>> -> memref<128xi32, #tpu.memory_space<vmem>>
    %dma_start3A_31 = arith.constant 0 : i32
    %dma_start3A_32 = arith.constant 0 : i32
    %dma_start3A_33 = tpu.memref_slice %arg2[%dma_start3A_31, %dma_start3A_32] : memref<8192x128xf32, #tpu.memory_space<hbm>> -> memref<8192x128xf32, #tpu.memory_space<hbm>>
    tpu.enqueue_indirect_dma source(%dma_start3A_33 : memref<8192x128xf32, #tpu.memory_space<hbm>>) target(%dma_start3A_28 : memref<128x128xf32, #tpu.memory_space<vmem>>) offsets(%dma_start3A_30 : memref<128xi32, #tpu.memory_space<vmem>>) semaphore(%arg7 : memref<!tpu.dma_semaphore, #tpu.memory_space<semaphore_mem>>)
    %dma_wait3A = arith.constant 0 : i32
    %dma_wait3A_34 = arith.constant 0 : i32
    %dma_wait3A_35 = tpu.memref_slice %arg6[%dma_wait3A, %dma_wait3A_34] : memref<512x128xf32, #tpu.memory_space<vmem>> -> memref<128x128xf32, #tpu.memory_space<vmem>>
    %dma_wait3A_36 = arith.constant 0 : i32
    %dma_wait3A_37 = tpu.memref_slice %arg5[%dma_wait3A_36] : memref<1024xi32, #tpu.memory_space<vmem>> -> memref<128xi32, #tpu.memory_space<vmem>>
    %dma_wait3A_38 = arith.constant 0 : i32
    %dma_wait3A_39 = arith.constant 0 : i32
    %dma_wait3A_40 = tpu.memref_slice %arg2[%dma_wait3A_38, %dma_wait3A_39] : memref<8192x128xf32, #tpu.memory_space<hbm>> -> memref<8192x128xf32, #tpu.memory_space<hbm>>
    tpu.wait_indirect_dma semaphore(%arg7 : memref<!tpu.dma_semaphore, #tpu.memory_space<semaphore_mem>>) src(%dma_wait3A_40 : memref<8192x128xf32, #tpu.memory_space<hbm>>) dst(%dma_wait3A_35 : memref<128x128xf32, #tpu.memory_space<vmem>>)
    %add3A_41 = arith.constant 0 : i32
    %add3A_42 = arith.addi %mul3A_2, %add3A_41 : i32
    %dma_start3A_43 = arith.constant 0 : i32
    %dma_start3A_44 = arith.constant 0 : i32
    %dma_start3A_45 = tpu.memref_slice %arg6[%dma_start3A_43, %dma_start3A_44] : memref<512x128xf32, #tpu.memory_space<vmem>> -> memref<128x128xf32, #tpu.memory_space<vmem>>
    %dma_start3A_46 = arith.constant 0 : i32
    %dma_start3A_47 = tpu.memref_slice %arg4[%add3A_42, %dma_start3A_46] : memref<32768x128xf32, #tpu.memory_space<hbm>> -> memref<128x128xf32, #tpu.memory_space<hbm>>
    %dma_start3A_48 = arith.constant 0 : i32
    %dma_start3A_49 = tpu.memref_slice %arg4[%add3A_42, %dma_start3A_48] : memref<32768x128xf32, #tpu.memory_space<hbm>> -> memref<128x128xf32, #tpu.memory_space<hbm>>
    %dma_start3A_50 = arith.constant 0 : i32
    %dma_start3A_51 = arith.constant 0 : i32
    %dma_start3A_52 = tpu.memref_slice %arg6[%dma_start3A_50, %dma_start3A_51] : memref<512x128xf32, #tpu.memory_space<vmem>> -> memref<128x128xf32, #tpu.memory_space<vmem>>
    tpu.enqueue_dma source(%dma_start3A_52 : memref<128x128xf32, #tpu.memory_space<vmem>>) target(%dma_start3A_49 : memref<128x128xf32, #tpu.memory_space<hbm>>) target_semaphore(%arg8 : memref<!tpu.dma_semaphore, #tpu.memory_space<semaphore_mem>>)
    %dma_wait3A_53 = arith.constant 128 : i32
    %dma_wait3A_54 = arith.constant 0 : i32
    %dma_wait3A_55 = tpu.memref_slice %arg6[%dma_wait3A_53, %dma_wait3A_54] : memref<512x128xf32, #tpu.memory_space<vmem>> -> memref<128x128xf32, #tpu.memory_space<vmem>>
    %dma_wait3A_56 = arith.constant 128 : i32
    %dma_wait3A_57 = tpu.memref_slice %arg5[%dma_wait3A_56] : memref<1024xi32, #tpu.memory_space<vmem>> -> memref<128xi32, #tpu.memory_space<vmem>>
    %dma_wait3A_58 = arith.constant 0 : i32
    %dma_wait3A_59 = arith.constant 0 : i32
    %dma_wait3A_60 = tpu.memref_slice %arg2[%dma_wait3A_58, %dma_wait3A_59] : memref<8192x128xf32, #tpu.memory_space<hbm>> -> memref<8192x128xf32, #tpu.memory_space<hbm>>
    tpu.wait_indirect_dma semaphore(%arg7 : memref<!tpu.dma_semaphore, #tpu.memory_space<semaphore_mem>>) src(%dma_wait3A_60 : memref<8192x128xf32, #tpu.memory_space<hbm>>) dst(%dma_wait3A_55 : memref<128x128xf32, #tpu.memory_space<vmem>>)
    %add3A_61 = arith.constant 128 : i32
    %add3A_62 = arith.addi %mul3A_2, %add3A_61 : i32
    %dma_start3A_63 = arith.constant 128 : i32
    %dma_start3A_64 = arith.constant 0 : i32
    %dma_start3A_65 = tpu.memref_slice %arg6[%dma_start3A_63, %dma_start3A_64] : memref<512x128xf32, #tpu.memory_space<vmem>> -> memref<128x128xf32, #tpu.memory_space<vmem>>
    %dma_start3A_66 = arith.constant 0 : i32
    %dma_start3A_67 = tpu.memref_slice %arg4[%add3A_62, %dma_start3A_66] : memref<32768x128xf32, #tpu.memory_space<hbm>> -> memref<128x128xf32, #tpu.memory_space<hbm>>
    %dma_start3A_68 = arith.constant 0 : i32
    %dma_start3A_69 = tpu.memref_slice %arg4[%add3A_62, %dma_start3A_68] : memref<32768x128xf32, #tpu.memory_space<hbm>> -> memref<128x128xf32, #tpu.memory_space<hbm>>
    %dma_start3A_70 = arith.constant 128 : i32
    %dma_start3A_71 = arith.constant 0 : i32
    %dma_start3A_72 = tpu.memref_slice %arg6[%dma_start3A_70, %dma_start3A_71] : memref<512x128xf32, #tpu.memory_space<vmem>> -> memref<128x128xf32, #tpu.memory_space<vmem>>
    tpu.enqueue_dma source(%dma_start3A_72 : memref<128x128xf32, #tpu.memory_space<vmem>>) target(%dma_start3A_69 : memref<128x128xf32, #tpu.memory_space<hbm>>) target_semaphore(%arg8 : memref<!tpu.dma_semaphore, #tpu.memory_space<semaphore_mem>>)
    %dma_wait3A_73 = arith.constant 0 : i32
    %dma_wait3A_74 = arith.constant 0 : i32
    %dma_wait3A_75 = tpu.memref_slice %arg6[%dma_wait3A_73, %dma_wait3A_74] : memref<512x128xf32, #tpu.memory_space<vmem>> -> memref<128x128xf32, #tpu.memory_space<vmem>>
    %dma_wait3A_76 = arith.constant 0 : i32
    %dma_wait3A_77 = tpu.memref_slice %arg4[%add3A_42, %dma_wait3A_76] : memref<32768x128xf32, #tpu.memory_space<hbm>> -> memref<128x128xf32, #tpu.memory_space<hbm>>
    %dma_wait3A_78 = arith.constant 0 : i32
    %dma_wait3A_79 = tpu.memref_slice %arg4[%add3A_42, %dma_wait3A_78] : memref<32768x128xf32, #tpu.memory_space<hbm>> -> memref<128x128xf32, #tpu.memory_space<hbm>>
    %dma_wait3A_80 = arith.constant 0 : i32
    %dma_wait3A_81 = arith.constant 0 : i32
    %dma_wait3A_82 = tpu.memref_slice %arg6[%dma_wait3A_80, %dma_wait3A_81] : memref<512x128xf32, #tpu.memory_space<vmem>> -> memref<128x128xf32, #tpu.memory_space<vmem>>
    tpu.wait_dma2 semaphore(%arg8 : memref<!tpu.dma_semaphore, #tpu.memory_space<semaphore_mem>>) src(%dma_wait3A_82 : memref<128x128xf32, #tpu.memory_space<vmem>>) dst(%dma_wait3A_79 : memref<128x128xf32, #tpu.memory_space<hbm>>)
    %dma_start3A_83 = arith.constant 0 : i32
    %dma_start3A_84 = arith.constant 0 : i32
    %dma_start3A_85 = tpu.memref_slice %arg6[%dma_start3A_83, %dma_start3A_84] : memref<512x128xf32, #tpu.memory_space<vmem>> -> memref<128x128xf32, #tpu.memory_space<vmem>>
    %dma_start3A_86 = arith.constant 512 : i32
    %dma_start3A_87 = tpu.memref_slice %arg5[%dma_start3A_86] : memref<1024xi32, #tpu.memory_space<vmem>> -> memref<128xi32, #tpu.memory_space<vmem>>
    %dma_start3A_88 = arith.constant 0 : i32
    %dma_start3A_89 = arith.constant 0 : i32
    %dma_start3A_90 = tpu.memref_slice %arg2[%dma_start3A_88, %dma_start3A_89] : memref<8192x128xf32, #tpu.memory_space<hbm>> -> memref<8192x128xf32, #tpu.memory_space<hbm>>
    tpu.enqueue_indirect_dma source(%dma_start3A_90 : memref<8192x128xf32, #tpu.memory_space<hbm>>) target(%dma_start3A_85 : memref<128x128xf32, #tpu.memory_space<vmem>>) offsets(%dma_start3A_87 : memref<128xi32, #tpu.memory_space<vmem>>) semaphore(%arg7 : memref<!tpu.dma_semaphore, #tpu.memory_space<semaphore_mem>>)
    %dma_wait3A_91 = arith.constant 256 : i32
    %dma_wait3A_92 = arith.constant 0 : i32
    %dma_wait3A_93 = tpu.memref_slice %arg6[%dma_wait3A_91, %dma_wait3A_92] : memref<512x128xf32, #tpu.memory_space<vmem>> -> memref<128x128xf32, #tpu.memory_space<vmem>>
    %dma_wait3A_94 = arith.constant 256 : i32
    %dma_wait3A_95 = tpu.memref_slice %arg5[%dma_wait3A_94] : memref<1024xi32, #tpu.memory_space<vmem>> -> memref<128xi32, #tpu.memory_space<vmem>>
    %dma_wait3A_96 = arith.constant 0 : i32
    %dma_wait3A_97 = arith.constant 0 : i32
    %dma_wait3A_98 = tpu.memref_slice %arg2[%dma_wait3A_96, %dma_wait3A_97] : memref<8192x128xf32, #tpu.memory_space<hbm>> -> memref<8192x128xf32, #tpu.memory_space<hbm>>
    tpu.wait_indirect_dma semaphore(%arg7 : memref<!tpu.dma_semaphore, #tpu.memory_space<semaphore_mem>>) src(%dma_wait3A_98 : memref<8192x128xf32, #tpu.memory_space<hbm>>) dst(%dma_wait3A_93 : memref<128x128xf32, #tpu.memory_space<vmem>>)
    %add3A_99 = arith.constant 256 : i32
    %add3A_100 = arith.addi %mul3A_2, %add3A_99 : i32
    %dma_start3A_101 = arith.constant 256 : i32
    %dma_start3A_102 = arith.constant 0 : i32
    %dma_start3A_103 = tpu.memref_slice %arg6[%dma_start3A_101, %dma_start3A_102] : memref<512x128xf32, #tpu.memory_space<vmem>> -> memref<128x128xf32, #tpu.memory_space<vmem>>
    %dma_start3A_104 = arith.constant 0 : i32
    %dma_start3A_105 = tpu.memref_slice %arg4[%add3A_100, %dma_start3A_104] : memref<32768x128xf32, #tpu.memory_space<hbm>> -> memref<128x128xf32, #tpu.memory_space<hbm>>
    %dma_start3A_106 = arith.constant 0 : i32
    %dma_start3A_107 = tpu.memref_slice %arg4[%add3A_100, %dma_start3A_106] : memref<32768x128xf32, #tpu.memory_space<hbm>> -> memref<128x128xf32, #tpu.memory_space<hbm>>
    %dma_start3A_108 = arith.constant 256 : i32
    %dma_start3A_109 = arith.constant 0 : i32
    %dma_start3A_110 = tpu.memref_slice %arg6[%dma_start3A_108, %dma_start3A_109] : memref<512x128xf32, #tpu.memory_space<vmem>> -> memref<128x128xf32, #tpu.memory_space<vmem>>
    tpu.enqueue_dma source(%dma_start3A_110 : memref<128x128xf32, #tpu.memory_space<vmem>>) target(%dma_start3A_107 : memref<128x128xf32, #tpu.memory_space<hbm>>) target_semaphore(%arg8 : memref<!tpu.dma_semaphore, #tpu.memory_space<semaphore_mem>>)
    %dma_wait3A_111 = arith.constant 128 : i32
    %dma_wait3A_112 = arith.constant 0 : i32
    %dma_wait3A_113 = tpu.memref_slice %arg6[%dma_wait3A_111, %dma_wait3A_112] : memref<512x128xf32, #tpu.memory_space<vmem>> -> memref<128x128xf32, #tpu.memory_space<vmem>>
    %dma_wait3A_114 = arith.constant 0 : i32
    %dma_wait3A_115 = tpu.memref_slice %arg4[%add3A_62, %dma_wait3A_114] : memref<32768x128xf32, #tpu.memory_space<hbm>> -> memref<128x128xf32, #tpu.memory_space<hbm>>
    %dma_wait3A_116 = arith.constant 0 : i32
    %dma_wait3A_117 = tpu.memref_slice %arg4[%add3A_62, %dma_wait3A_116] : memref<32768x128xf32, #tpu.memory_space<hbm>> -> memref<128x128xf32, #tpu.memory_space<hbm>>
    %dma_wait3A_118 = arith.constant 128 : i32
    %dma_wait3A_119 = arith.constant 0 : i32
    %dma_wait3A_120 = tpu.memref_slice %arg6[%dma_wait3A_118, %dma_wait3A_119] : memref<512x128xf32, #tpu.memory_space<vmem>> -> memref<128x128xf32, #tpu.memory_space<vmem>>
    tpu.wait_dma2 semaphore(%arg8 : memref<!tpu.dma_semaphore, #tpu.memory_space<semaphore_mem>>) src(%dma_wait3A_120 : memref<128x128xf32, #tpu.memory_space<vmem>>) dst(%dma_wait3A_117 : memref<128x128xf32, #tpu.memory_space<hbm>>)
    %dma_start3A_121 = arith.constant 128 : i32
    %dma_start3A_122 = arith.constant 0 : i32
    %dma_start3A_123 = tpu.memref_slice %arg6[%dma_start3A_121, %dma_start3A_122] : memref<512x128xf32, #tpu.memory_space<vmem>> -> memref<128x128xf32, #tpu.memory_space<vmem>>
    %dma_start3A_124 = arith.constant 640 : i32
    %dma_start3A_125 = tpu.memref_slice %arg5[%dma_start3A_124] : memref<1024xi32, #tpu.memory_space<vmem>> -> memref<128xi32, #tpu.memory_space<vmem>>
    %dma_start3A_126 = arith.constant 0 : i32
    %dma_start3A_127 = arith.constant 0 : i32
    %dma_start3A_128 = tpu.memref_slice %arg2[%dma_start3A_126, %dma_start3A_127] : memref<8192x128xf32, #tpu.memory_space<hbm>> -> memref<8192x128xf32, #tpu.memory_space<hbm>>
    tpu.enqueue_indirect_dma source(%dma_start3A_128 : memref<8192x128xf32, #tpu.memory_space<hbm>>) target(%dma_start3A_123 : memref<128x128xf32, #tpu.memory_space<vmem>>) offsets(%dma_start3A_125 : memref<128xi32, #tpu.memory_space<vmem>>) semaphore(%arg7 : memref<!tpu.dma_semaphore, #tpu.memory_space<semaphore_mem>>)
    %dma_wait3A_129 = arith.constant 384 : i32
    %dma_wait3A_130 = arith.constant 0 : i32
    %dma_wait3A_131 = tpu.memref_slice %arg6[%dma_wait3A_129, %dma_wait3A_130] : memref<512x128xf32, #tpu.memory_space<vmem>> -> memref<128x128xf32, #tpu.memory_space<vmem>>
    %dma_wait3A_132 = arith.constant 384 : i32
    %dma_wait3A_133 = tpu.memref_slice %arg5[%dma_wait3A_132] : memref<1024xi32, #tpu.memory_space<vmem>> -> memref<128xi32, #tpu.memory_space<vmem>>
    %dma_wait3A_134 = arith.constant 0 : i32
    %dma_wait3A_135 = arith.constant 0 : i32
    %dma_wait3A_136 = tpu.memref_slice %arg2[%dma_wait3A_134, %dma_wait3A_135] : memref<8192x128xf32, #tpu.memory_space<hbm>> -> memref<8192x128xf32, #tpu.memory_space<hbm>>
    tpu.wait_indirect_dma semaphore(%arg7 : memref<!tpu.dma_semaphore, #tpu.memory_space<semaphore_mem>>) src(%dma_wait3A_136 : memref<8192x128xf32, #tpu.memory_space<hbm>>) dst(%dma_wait3A_131 : memref<128x128xf32, #tpu.memory_space<vmem>>)
    %add3A_137 = arith.constant 384 : i32
    %add3A_138 = arith.addi %mul3A_2, %add3A_137 : i32
    %dma_start3A_139 = arith.constant 384 : i32
    %dma_start3A_140 = arith.constant 0 : i32
    %dma_start3A_141 = tpu.memref_slice %arg6[%dma_start3A_139, %dma_start3A_140] : memref<512x128xf32, #tpu.memory_space<vmem>> -> memref<128x128xf32, #tpu.memory_space<vmem>>
    %dma_start3A_142 = arith.constant 0 : i32
    %dma_start3A_143 = tpu.memref_slice %arg4[%add3A_138, %dma_start3A_142] : memref<32768x128xf32, #tpu.memory_space<hbm>> -> memref<128x128xf32, #tpu.memory_space<hbm>>
    %dma_start3A_144 = arith.constant 0 : i32
    %dma_start3A_145 = tpu.memref_slice %arg4[%add3A_138, %dma_start3A_144] : memref<32768x128xf32, #tpu.memory_space<hbm>> -> memref<128x128xf32, #tpu.memory_space<hbm>>
    %dma_start3A_146 = arith.constant 384 : i32
    %dma_start3A_147 = arith.constant 0 : i32
    %dma_start3A_148 = tpu.memref_slice %arg6[%dma_start3A_146, %dma_start3A_147] : memref<512x128xf32, #tpu.memory_space<vmem>> -> memref<128x128xf32, #tpu.memory_space<vmem>>
    tpu.enqueue_dma source(%dma_start3A_148 : memref<128x128xf32, #tpu.memory_space<vmem>>) target(%dma_start3A_145 : memref<128x128xf32, #tpu.memory_space<hbm>>) target_semaphore(%arg8 : memref<!tpu.dma_semaphore, #tpu.memory_space<semaphore_mem>>)
    %dma_wait3A_149 = arith.constant 256 : i32
    %dma_wait3A_150 = arith.constant 0 : i32
    %dma_wait3A_151 = tpu.memref_slice %arg6[%dma_wait3A_149, %dma_wait3A_150] : memref<512x128xf32, #tpu.memory_space<vmem>> -> memref<128x128xf32, #tpu.memory_space<vmem>>
    %dma_wait3A_152 = arith.constant 0 : i32
    %dma_wait3A_153 = tpu.memref_slice %arg4[%add3A_100, %dma_wait3A_152] : memref<32768x128xf32, #tpu.memory_space<hbm>> -> memref<128x128xf32, #tpu.memory_space<hbm>>
    %dma_wait3A_154 = arith.constant 0 : i32
    %dma_wait3A_155 = tpu.memref_slice %arg4[%add3A_100, %dma_wait3A_154] : memref<32768x128xf32, #tpu.memory_space<hbm>> -> memref<128x128xf32, #tpu.memory_space<hbm>>
    %dma_wait3A_156 = arith.constant 256 : i32
    %dma_wait3A_157 = arith.constant 0 : i32
    %dma_wait3A_158 = tpu.memref_slice %arg6[%dma_wait3A_156, %dma_wait3A_157] : memref<512x128xf32, #tpu.memory_space<vmem>> -> memref<128x128xf32, #tpu.memory_space<vmem>>
    tpu.wait_dma2 semaphore(%arg8 : memref<!tpu.dma_semaphore, #tpu.memory_space<semaphore_mem>>) src(%dma_wait3A_158 : memref<128x128xf32, #tpu.memory_space<vmem>>) dst(%dma_wait3A_155 : memref<128x128xf32, #tpu.memory_space<hbm>>)
    %dma_start3A_159 = arith.constant 256 : i32
    %dma_start3A_160 = arith.constant 0 : i32
    %dma_start3A_161 = tpu.memref_slice %arg6[%dma_start3A_159, %dma_start3A_160] : memref<512x128xf32, #tpu.memory_space<vmem>> -> memref<128x128xf32, #tpu.memory_space<vmem>>
    %dma_start3A_162 = arith.constant 768 : i32
    %dma_start3A_163 = tpu.memref_slice %arg5[%dma_start3A_162] : memref<1024xi32, #tpu.memory_space<vmem>> -> memref<128xi32, #tpu.memory_space<vmem>>
    %dma_start3A_164 = arith.constant 0 : i32
    %dma_start3A_165 = arith.constant 0 : i32
    %dma_start3A_166 = tpu.memref_slice %arg2[%dma_start3A_164, %dma_start3A_165] : memref<8192x128xf32, #tpu.memory_space<hbm>> -> memref<8192x128xf32, #tpu.memory_space<hbm>>
    tpu.enqueue_indirect_dma source(%dma_start3A_166 : memref<8192x128xf32, #tpu.memory_space<hbm>>) target(%dma_start3A_161 : memref<128x128xf32, #tpu.memory_space<vmem>>) offsets(%dma_start3A_163 : memref<128xi32, #tpu.memory_space<vmem>>) semaphore(%arg7 : memref<!tpu.dma_semaphore, #tpu.memory_space<semaphore_mem>>)
    %dma_wait3A_167 = arith.constant 0 : i32
    %dma_wait3A_168 = arith.constant 0 : i32
    %dma_wait3A_169 = tpu.memref_slice %arg6[%dma_wait3A_167, %dma_wait3A_168] : memref<512x128xf32, #tpu.memory_space<vmem>> -> memref<128x128xf32, #tpu.memory_space<vmem>>
    %dma_wait3A_170 = arith.constant 512 : i32
    %dma_wait3A_171 = tpu.memref_slice %arg5[%dma_wait3A_170] : memref<1024xi32, #tpu.memory_space<vmem>> -> memref<128xi32, #tpu.memory_space<vmem>>
    %dma_wait3A_172 = arith.constant 0 : i32
    %dma_wait3A_173 = arith.constant 0 : i32
    %dma_wait3A_174 = tpu.memref_slice %arg2[%dma_wait3A_172, %dma_wait3A_173] : memref<8192x128xf32, #tpu.memory_space<hbm>> -> memref<8192x128xf32, #tpu.memory_space<hbm>>
    tpu.wait_indirect_dma semaphore(%arg7 : memref<!tpu.dma_semaphore, #tpu.memory_space<semaphore_mem>>) src(%dma_wait3A_174 : memref<8192x128xf32, #tpu.memory_space<hbm>>) dst(%dma_wait3A_169 : memref<128x128xf32, #tpu.memory_space<vmem>>)
    %add3A_175 = arith.constant 512 : i32
    %add3A_176 = arith.addi %mul3A_2, %add3A_175 : i32
    %dma_start3A_177 = arith.constant 0 : i32
    %dma_start3A_178 = arith.constant 0 : i32
    %dma_start3A_179 = tpu.memref_slice %arg6[%dma_start3A_177, %dma_start3A_178] : memref<512x128xf32, #tpu.memory_space<vmem>> -> memref<128x128xf32, #tpu.memory_space<vmem>>
    %dma_start3A_180 = arith.constant 0 : i32
    %dma_start3A_181 = tpu.memref_slice %arg4[%add3A_176, %dma_start3A_180] : memref<32768x128xf32, #tpu.memory_space<hbm>> -> memref<128x128xf32, #tpu.memory_space<hbm>>
    %dma_start3A_182 = arith.constant 0 : i32
    %dma_start3A_183 = tpu.memref_slice %arg4[%add3A_176, %dma_start3A_182] : memref<32768x128xf32, #tpu.memory_space<hbm>> -> memref<128x128xf32, #tpu.memory_space<hbm>>
    %dma_start3A_184 = arith.constant 0 : i32
    %dma_start3A_185 = arith.constant 0 : i32
    %dma_start3A_186 = tpu.memref_slice %arg6[%dma_start3A_184, %dma_start3A_185] : memref<512x128xf32, #tpu.memory_space<vmem>> -> memref<128x128xf32, #tpu.memory_space<vmem>>
    tpu.enqueue_dma source(%dma_start3A_186 : memref<128x128xf32, #tpu.memory_space<vmem>>) target(%dma_start3A_183 : memref<128x128xf32, #tpu.memory_space<hbm>>) target_semaphore(%arg8 : memref<!tpu.dma_semaphore, #tpu.memory_space<semaphore_mem>>)
    %dma_wait3A_187 = arith.constant 384 : i32
    %dma_wait3A_188 = arith.constant 0 : i32
    %dma_wait3A_189 = tpu.memref_slice %arg6[%dma_wait3A_187, %dma_wait3A_188] : memref<512x128xf32, #tpu.memory_space<vmem>> -> memref<128x128xf32, #tpu.memory_space<vmem>>
    %dma_wait3A_190 = arith.constant 0 : i32
    %dma_wait3A_191 = tpu.memref_slice %arg4[%add3A_138, %dma_wait3A_190] : memref<32768x128xf32, #tpu.memory_space<hbm>> -> memref<128x128xf32, #tpu.memory_space<hbm>>
    %dma_wait3A_192 = arith.constant 0 : i32
    %dma_wait3A_193 = tpu.memref_slice %arg4[%add3A_138, %dma_wait3A_192] : memref<32768x128xf32, #tpu.memory_space<hbm>> -> memref<128x128xf32, #tpu.memory_space<hbm>>
    %dma_wait3A_194 = arith.constant 384 : i32
    %dma_wait3A_195 = arith.constant 0 : i32
    %dma_wait3A_196 = tpu.memref_slice %arg6[%dma_wait3A_194, %dma_wait3A_195] : memref<512x128xf32, #tpu.memory_space<vmem>> -> memref<128x128xf32, #tpu.memory_space<vmem>>
    tpu.wait_dma2 semaphore(%arg8 : memref<!tpu.dma_semaphore, #tpu.memory_space<semaphore_mem>>) src(%dma_wait3A_196 : memref<128x128xf32, #tpu.memory_space<vmem>>) dst(%dma_wait3A_193 : memref<128x128xf32, #tpu.memory_space<hbm>>)
    %dma_start3A_197 = arith.constant 384 : i32
    %dma_start3A_198 = arith.constant 0 : i32
    %dma_start3A_199 = tpu.memref_slice %arg6[%dma_start3A_197, %dma_start3A_198] : memref<512x128xf32, #tpu.memory_space<vmem>> -> memref<128x128xf32, #tpu.memory_space<vmem>>
    %dma_start3A_200 = arith.constant 896 : i32
    %dma_start3A_201 = tpu.memref_slice %arg5[%dma_start3A_200] : memref<1024xi32, #tpu.memory_space<vmem>> -> memref<128xi32, #tpu.memory_space<vmem>>
    %dma_start3A_202 = arith.constant 0 : i32
    %dma_start3A_203 = arith.constant 0 : i32
    %dma_start3A_204 = tpu.memref_slice %arg2[%dma_start3A_202, %dma_start3A_203] : memref<8192x128xf32, #tpu.memory_space<hbm>> -> memref<8192x128xf32, #tpu.memory_space<hbm>>
    tpu.enqueue_indirect_dma source(%dma_start3A_204 : memref<8192x128xf32, #tpu.memory_space<hbm>>) target(%dma_start3A_199 : memref<128x128xf32, #tpu.memory_space<vmem>>) offsets(%dma_start3A_201 : memref<128xi32, #tpu.memory_space<vmem>>) semaphore(%arg7 : memref<!tpu.dma_semaphore, #tpu.memory_space<semaphore_mem>>)
    %dma_wait3A_205 = arith.constant 128 : i32
    %dma_wait3A_206 = arith.constant 0 : i32
    %dma_wait3A_207 = tpu.memref_slice %arg6[%dma_wait3A_205, %dma_wait3A_206] : memref<512x128xf32, #tpu.memory_space<vmem>> -> memref<128x128xf32, #tpu.memory_space<vmem>>
    %dma_wait3A_208 = arith.constant 640 : i32
    %dma_wait3A_209 = tpu.memref_slice %arg5[%dma_wait3A_208] : memref<1024xi32, #tpu.memory_space<vmem>> -> memref<128xi32, #tpu.memory_space<vmem>>
    %dma_wait3A_210 = arith.constant 0 : i32
    %dma_wait3A_211 = arith.constant 0 : i32
    %dma_wait3A_212 = tpu.memref_slice %arg2[%dma_wait3A_210, %dma_wait3A_211] : memref<8192x128xf32, #tpu.memory_space<hbm>> -> memref<8192x128xf32, #tpu.memory_space<hbm>>
    tpu.wait_indirect_dma semaphore(%arg7 : memref<!tpu.dma_semaphore, #tpu.memory_space<semaphore_mem>>) src(%dma_wait3A_212 : memref<8192x128xf32, #tpu.memory_space<hbm>>) dst(%dma_wait3A_207 : memref<128x128xf32, #tpu.memory_space<vmem>>)
    %add3A_213 = arith.constant 640 : i32
    %add3A_214 = arith.addi %mul3A_2, %add3A_213 : i32
    %dma_start3A_215 = arith.constant 128 : i32
    %dma_start3A_216 = arith.constant 0 : i32
    %dma_start3A_217 = tpu.memref_slice %arg6[%dma_start3A_215, %dma_start3A_216] : memref<512x128xf32, #tpu.memory_space<vmem>> -> memref<128x128xf32, #tpu.memory_space<vmem>>
    %dma_start3A_218 = arith.constant 0 : i32
    %dma_start3A_219 = tpu.memref_slice %arg4[%add3A_214, %dma_start3A_218] : memref<32768x128xf32, #tpu.memory_space<hbm>> -> memref<128x128xf32, #tpu.memory_space<hbm>>
    %dma_start3A_220 = arith.constant 0 : i32
    %dma_start3A_221 = tpu.memref_slice %arg4[%add3A_214, %dma_start3A_220] : memref<32768x128xf32, #tpu.memory_space<hbm>> -> memref<128x128xf32, #tpu.memory_space<hbm>>
    %dma_start3A_222 = arith.constant 128 : i32
    %dma_start3A_223 = arith.constant 0 : i32
    %dma_start3A_224 = tpu.memref_slice %arg6[%dma_start3A_222, %dma_start3A_223] : memref<512x128xf32, #tpu.memory_space<vmem>> -> memref<128x128xf32, #tpu.memory_space<vmem>>
    tpu.enqueue_dma source(%dma_start3A_224 : memref<128x128xf32, #tpu.memory_space<vmem>>) target(%dma_start3A_221 : memref<128x128xf32, #tpu.memory_space<hbm>>) target_semaphore(%arg8 : memref<!tpu.dma_semaphore, #tpu.memory_space<semaphore_mem>>)
    %dma_wait3A_225 = arith.constant 256 : i32
    %dma_wait3A_226 = arith.constant 0 : i32
    %dma_wait3A_227 = tpu.memref_slice %arg6[%dma_wait3A_225, %dma_wait3A_226] : memref<512x128xf32, #tpu.memory_space<vmem>> -> memref<128x128xf32, #tpu.memory_space<vmem>>
    %dma_wait3A_228 = arith.constant 768 : i32
    %dma_wait3A_229 = tpu.memref_slice %arg5[%dma_wait3A_228] : memref<1024xi32, #tpu.memory_space<vmem>> -> memref<128xi32, #tpu.memory_space<vmem>>
    %dma_wait3A_230 = arith.constant 0 : i32
    %dma_wait3A_231 = arith.constant 0 : i32
    %dma_wait3A_232 = tpu.memref_slice %arg2[%dma_wait3A_230, %dma_wait3A_231] : memref<8192x128xf32, #tpu.memory_space<hbm>> -> memref<8192x128xf32, #tpu.memory_space<hbm>>
    tpu.wait_indirect_dma semaphore(%arg7 : memref<!tpu.dma_semaphore, #tpu.memory_space<semaphore_mem>>) src(%dma_wait3A_232 : memref<8192x128xf32, #tpu.memory_space<hbm>>) dst(%dma_wait3A_227 : memref<128x128xf32, #tpu.memory_space<vmem>>)
    %add3A_233 = arith.constant 768 : i32
    %add3A_234 = arith.addi %mul3A_2, %add3A_233 : i32
    %dma_start3A_235 = arith.constant 256 : i32
    %dma_start3A_236 = arith.constant 0 : i32
    %dma_start3A_237 = tpu.memref_slice %arg6[%dma_start3A_235, %dma_start3A_236] : memref<512x128xf32, #tpu.memory_space<vmem>> -> memref<128x128xf32, #tpu.memory_space<vmem>>
    %dma_start3A_238 = arith.constant 0 : i32
    %dma_start3A_239 = tpu.memref_slice %arg4[%add3A_234, %dma_start3A_238] : memref<32768x128xf32, #tpu.memory_space<hbm>> -> memref<128x128xf32, #tpu.memory_space<hbm>>
    %dma_start3A_240 = arith.constant 0 : i32
    %dma_start3A_241 = tpu.memref_slice %arg4[%add3A_234, %dma_start3A_240] : memref<32768x128xf32, #tpu.memory_space<hbm>> -> memref<128x128xf32, #tpu.memory_space<hbm>>
    %dma_start3A_242 = arith.constant 256 : i32
    %dma_start3A_243 = arith.constant 0 : i32
    %dma_start3A_244 = tpu.memref_slice %arg6[%dma_start3A_242, %dma_start3A_243] : memref<512x128xf32, #tpu.memory_space<vmem>> -> memref<128x128xf32, #tpu.memory_space<vmem>>
    tpu.enqueue_dma source(%dma_start3A_244 : memref<128x128xf32, #tpu.memory_space<vmem>>) target(%dma_start3A_241 : memref<128x128xf32, #tpu.memory_space<hbm>>) target_semaphore(%arg8 : memref<!tpu.dma_semaphore, #tpu.memory_space<semaphore_mem>>)
    %dma_wait3A_245 = arith.constant 384 : i32
    %dma_wait3A_246 = arith.constant 0 : i32
    %dma_wait3A_247 = tpu.memref_slice %arg6[%dma_wait3A_245, %dma_wait3A_246] : memref<512x128xf32, #tpu.memory_space<vmem>> -> memref<128x128xf32, #tpu.memory_space<vmem>>
    %dma_wait3A_248 = arith.constant 896 : i32
    %dma_wait3A_249 = tpu.memref_slice %arg5[%dma_wait3A_248] : memref<1024xi32, #tpu.memory_space<vmem>> -> memref<128xi32, #tpu.memory_space<vmem>>
    %dma_wait3A_250 = arith.constant 0 : i32
    %dma_wait3A_251 = arith.constant 0 : i32
    %dma_wait3A_252 = tpu.memref_slice %arg2[%dma_wait3A_250, %dma_wait3A_251] : memref<8192x128xf32, #tpu.memory_space<hbm>> -> memref<8192x128xf32, #tpu.memory_space<hbm>>
    tpu.wait_indirect_dma semaphore(%arg7 : memref<!tpu.dma_semaphore, #tpu.memory_space<semaphore_mem>>) src(%dma_wait3A_252 : memref<8192x128xf32, #tpu.memory_space<hbm>>) dst(%dma_wait3A_247 : memref<128x128xf32, #tpu.memory_space<vmem>>)
    %add3A_253 = arith.constant 896 : i32
    %add3A_254 = arith.addi %mul3A_2, %add3A_253 : i32
    %dma_start3A_255 = arith.constant 384 : i32
    %dma_start3A_256 = arith.constant 0 : i32
    %dma_start3A_257 = tpu.memref_slice %arg6[%dma_start3A_255, %dma_start3A_256] : memref<512x128xf32, #tpu.memory_space<vmem>> -> memref<128x128xf32, #tpu.memory_space<vmem>>
    %dma_start3A_258 = arith.constant 0 : i32
    %dma_start3A_259 = tpu.memref_slice %arg4[%add3A_254, %dma_start3A_258] : memref<32768x128xf32, #tpu.memory_space<hbm>> -> memref<128x128xf32, #tpu.memory_space<hbm>>
    %dma_start3A_260 = arith.constant 0 : i32
    %dma_start3A_261 = tpu.memref_slice %arg4[%add3A_254, %dma_start3A_260] : memref<32768x128xf32, #tpu.memory_space<hbm>> -> memref<128x128xf32, #tpu.memory_space<hbm>>
    %dma_start3A_262 = arith.constant 384 : i32
    %dma_start3A_263 = arith.constant 0 : i32
    %dma_start3A_264 = tpu.memref_slice %arg6[%dma_start3A_262, %dma_start3A_263] : memref<512x128xf32, #tpu.memory_space<vmem>> -> memref<128x128xf32, #tpu.memory_space<vmem>>
    tpu.enqueue_dma source(%dma_start3A_264 : memref<128x128xf32, #tpu.memory_space<vmem>>) target(%dma_start3A_261 : memref<128x128xf32, #tpu.memory_space<hbm>>) target_semaphore(%arg8 : memref<!tpu.dma_semaphore, #tpu.memory_space<semaphore_mem>>)
    %dma_wait3A_265 = arith.constant 0 : i32
    %dma_wait3A_266 = arith.constant 0 : i32
    %dma_wait3A_267 = tpu.memref_slice %arg6[%dma_wait3A_265, %dma_wait3A_266] : memref<512x128xf32, #tpu.memory_space<vmem>> -> memref<128x128xf32, #tpu.memory_space<vmem>>
    %dma_wait3A_268 = arith.constant 0 : i32
    %dma_wait3A_269 = tpu.memref_slice %arg4[%add3A_176, %dma_wait3A_268] : memref<32768x128xf32, #tpu.memory_space<hbm>> -> memref<128x128xf32, #tpu.memory_space<hbm>>
    %dma_wait3A_270 = arith.constant 0 : i32
    %dma_wait3A_271 = tpu.memref_slice %arg4[%add3A_176, %dma_wait3A_270] : memref<32768x128xf32, #tpu.memory_space<hbm>> -> memref<128x128xf32, #tpu.memory_space<hbm>>
    %dma_wait3A_272 = arith.constant 0 : i32
    %dma_wait3A_273 = arith.constant 0 : i32
    %dma_wait3A_274 = tpu.memref_slice %arg6[%dma_wait3A_272, %dma_wait3A_273] : memref<512x128xf32, #tpu.memory_space<vmem>> -> memref<128x128xf32, #tpu.memory_space<vmem>>
    tpu.wait_dma2 semaphore(%arg8 : memref<!tpu.dma_semaphore, #tpu.memory_space<semaphore_mem>>) src(%dma_wait3A_274 : memref<128x128xf32, #tpu.memory_space<vmem>>) dst(%dma_wait3A_271 : memref<128x128xf32, #tpu.memory_space<hbm>>)
    %dma_wait3A_275 = arith.constant 128 : i32
    %dma_wait3A_276 = arith.constant 0 : i32
    %dma_wait3A_277 = tpu.memref_slice %arg6[%dma_wait3A_275, %dma_wait3A_276] : memref<512x128xf32, #tpu.memory_space<vmem>> -> memref<128x128xf32, #tpu.memory_space<vmem>>
    %dma_wait3A_278 = arith.constant 0 : i32
    %dma_wait3A_279 = tpu.memref_slice %arg4[%add3A_214, %dma_wait3A_278] : memref<32768x128xf32, #tpu.memory_space<hbm>> -> memref<128x128xf32, #tpu.memory_space<hbm>>
    %dma_wait3A_280 = arith.constant 0 : i32
    %dma_wait3A_281 = tpu.memref_slice %arg4[%add3A_214, %dma_wait3A_280] : memref<32768x128xf32, #tpu.memory_space<hbm>> -> memref<128x128xf32, #tpu.memory_space<hbm>>
    %dma_wait3A_282 = arith.constant 128 : i32
    %dma_wait3A_283 = arith.constant 0 : i32
    %dma_wait3A_284 = tpu.memref_slice %arg6[%dma_wait3A_282, %dma_wait3A_283] : memref<512x128xf32, #tpu.memory_space<vmem>> -> memref<128x128xf32, #tpu.memory_space<vmem>>
    tpu.wait_dma2 semaphore(%arg8 : memref<!tpu.dma_semaphore, #tpu.memory_space<semaphore_mem>>) src(%dma_wait3A_284 : memref<128x128xf32, #tpu.memory_space<vmem>>) dst(%dma_wait3A_281 : memref<128x128xf32, #tpu.memory_space<hbm>>)
    %dma_wait3A_285 = arith.constant 256 : i32
    %dma_wait3A_286 = arith.constant 0 : i32
    %dma_wait3A_287 = tpu.memref_slice %arg6[%dma_wait3A_285, %dma_wait3A_286] : memref<512x128xf32, #tpu.memory_space<vmem>> -> memref<128x128xf32, #tpu.memory_space<vmem>>
    %dma_wait3A_288 = arith.constant 0 : i32
    %dma_wait3A_289 = tpu.memref_slice %arg4[%add3A_234, %dma_wait3A_288] : memref<32768x128xf32, #tpu.memory_space<hbm>> -> memref<128x128xf32, #tpu.memory_space<hbm>>
    %dma_wait3A_290 = arith.constant 0 : i32
    %dma_wait3A_291 = tpu.memref_slice %arg4[%add3A_234, %dma_wait3A_290] : memref<32768x128xf32, #tpu.memory_space<hbm>> -> memref<128x128xf32, #tpu.memory_space<hbm>>
    %dma_wait3A_292 = arith.constant 256 : i32
    %dma_wait3A_293 = arith.constant 0 : i32
    %dma_wait3A_294 = tpu.memref_slice %arg6[%dma_wait3A_292, %dma_wait3A_293] : memref<512x128xf32, #tpu.memory_space<vmem>> -> memref<128x128xf32, #tpu.memory_space<vmem>>
    tpu.wait_dma2 semaphore(%arg8 : memref<!tpu.dma_semaphore, #tpu.memory_space<semaphore_mem>>) src(%dma_wait3A_294 : memref<128x128xf32, #tpu.memory_space<vmem>>) dst(%dma_wait3A_291 : memref<128x128xf32, #tpu.memory_space<hbm>>)
    %dma_wait3A_295 = arith.constant 384 : i32
    %dma_wait3A_296 = arith.constant 0 : i32
    %dma_wait3A_297 = tpu.memref_slice %arg6[%dma_wait3A_295, %dma_wait3A_296] : memref<512x128xf32, #tpu.memory_space<vmem>> -> memref<128x128xf32, #tpu.memory_space<vmem>>
    %dma_wait3A_298 = arith.constant 0 : i32
    %dma_wait3A_299 = tpu.memref_slice %arg4[%add3A_254, %dma_wait3A_298] : memref<32768x128xf32, #tpu.memory_space<hbm>> -> memref<128x128xf32, #tpu.memory_space<hbm>>
    %dma_wait3A_300 = arith.constant 0 : i32
    %dma_wait3A_301 = tpu.memref_slice %arg4[%add3A_254, %dma_wait3A_300] : memref<32768x128xf32, #tpu.memory_space<hbm>> -> memref<128x128xf32, #tpu.memory_space<hbm>>
    %dma_wait3A_302 = arith.constant 384 : i32
    %dma_wait3A_303 = arith.constant 0 : i32
    %dma_wait3A_304 = tpu.memref_slice %arg6[%dma_wait3A_302, %dma_wait3A_303] : memref<512x128xf32, #tpu.memory_space<vmem>> -> memref<128x128xf32, #tpu.memory_space<vmem>>
    tpu.wait_dma2 semaphore(%arg8 : memref<!tpu.dma_semaphore, #tpu.memory_space<semaphore_mem>>) src(%dma_wait3A_304 : memref<128x128xf32, #tpu.memory_space<vmem>>) dst(%dma_wait3A_301 : memref<128x128xf32, #tpu.memory_space<hbm>>)
    return
  }
}

</mosaic_0001>

<sc_bundles>
// kernel: _gather_pallas.3.cloned.1.call-start
scs
__scs_entry_jumppad:
0x0: {  	(pc) =	sbr.rel $0x88, $3  }
0x1: {  	(tag) =	ssettag $0x0;
	lr =	simm.s32 $0x1  }
0x2: {  	[smem:$0x3F9F] =	sst lr;
	_ =	strace $0xD0000000  }
0x3: {  	_ = 	snop  }
0x4: {  	_ = 	snop  }
0x5: {  	_ = 	snop  }
0x6: {  	_ = 	snop  }
0x7: {  	_ = 	snop  }
__scs_overlays_trampoline_lowered:
0x8: {  	[smem:$0x3FAE] =	sst s0  }
0x9: {  	[smem:$0x3FAF] =	sst s1  }
0xa: {  	[smem:$0x3FB0] =	sst s2  }
0xb: {  	[smem:$0x3FB1] =	sst s3  }
0xc: {  	[smem:$0x3FB2] =	sst s4  }
0xd: {  	[smem:$0x3FB3] =	sst s5  }
0xe: {  	[smem:$0x3FB4] =	sst s6  }
0xf: {  	[smem:$0x3FB5] =	sst s7  }
0x10: {  	[smem:$0x3FB6] =	sst s8  }
0x11: {  	[smem:$0x3FB7] =	sst s9;
	s0 =	simm.s32 @!p0 $0x0  }
0x12: {  	s1 =	sld [smem:$0x3F9D];
	s0 =	simm.s32 @p0 $0x1  }
0x13: {  	[smem:$0x3FB8] =	sst s0;
	s0 =	simm.s32 @!p1 $0x0  }
0x14: {  	s2 =	sld [smem:$0x3F9C];
	s0 =	simm.s32 @p1 $0x1  }
0x15: {  	[smem:$0x3FB9] =	sst s0;
	s0 =	simm.s32 @!p2 $0x0  }
0x16: {  	s3 =	sld [smem:$0x3FDB];
	s0 =	simm.s32 @p2 $0x1  }
0x17: {  	s4 =	simm.s32 $0x1BF5;
	[smem:$0x3FBB] =	sst s0  }
0x18: {  	s0 =	sld [smem:$0x3F9E];
	_ =	swait.ge [sflag:s4], $0x0  }
0x19: {  	s7 =	sld [smem:$0x3F9F]  }
0x1a: {  	s8 =	sadd.s32 $0xFFFFE003, lr  }
0x1b: {  	s9 =	sadd.s32 $0xFFFFFEF7, lr;
	s5 =	simm.s32 $0xFFFFFFFF;
	p2 =	slt.u32 s8, $0xFFFFF086  }
0x1c: {  	p1 =	slt.u32 s9, $0xF7A;
	s5 =	simm.s32 @!p2 $0x0  }
0x1d: {  	s5 =	simm.s32 @p1 $0x1;
	p0 =	seq.s32 s7, s2  }
0x1e: {  	s7 =	smul.u32 @!p0 $0xF7A, s2;
	p2 =	seq.s32 @!p0 s5, $0x0  }
0x1f: {  	s9 =	smul.u32 $0xF7A, s1;
	s8 =	simm.s32 @!p0 $0x1BF5;
	p2 =	por !p2, p0  }
0x20: {  	[sflag:s8] =	ssyncset.s32 @!p0 $0xFFFFF086;
	s6 =	sadd.s32 @!p0 s3, s7;
	s7 =	simm.s32 @!p0 $0x108  }
0x21: {  	s3 =	sadd.s32 s3, s9;
	s6 =	sadd.s32 @!p0 $0x88, s6;
	s7 =	simm.s32 @p2 $0x1082  }
0x22: {  	[simem:s7], [sflag:s8] =	dma.local @!p0 [hbm:s6], $0xF7A  }
0x23: {  	s9 =	sor.u32 $0xD0000000, s2;
	s6 =	simm.s32 $0x108;
	_ =	swait.ge @!p0 [sflag:s8], $0x0  }
0x24: {  	s3 =	sadd.s32 $0x88, s3;
	s6 =	simm.s32 @!p1 $0x1082;
	[sflag:s4] =	ssyncset.s32 $0xFFFFF086  }
0x25: {  	[simem:s6], [sflag:s4] =	dma.local [hbm:s3], $0xF7A  }
0x26: {  	[smem:$0x3F9F] =	sst s1;
	(tag) =	ssettag s2;
	_ =	strace s9  }
0x27: {  	s1 =	sld [smem:$0x3FAF]  }
0x28: {  	s2 =	sld [smem:$0x3FB0]  }
0x29: {  	s4 =	sld [smem:$0x3FB2]  }
0x2a: {  	p0 =	seq.s32 s5, $0x0;
	s5 =	sld [smem:$0x3FB3]  }
0x2b: {  	s6 =	sld [smem:$0x3FB4]  }
0x2c: {  	s7 =	sld [smem:$0x3FB5]  }
0x2d: {  	s3 =	simm.s32 $0x108;
	s8 =	sld [smem:$0x3FB6]  }
0x2e: {  	s3 =	simm.s32 @!p0 $0x1082;
	s9 =	sld [smem:$0x3FB7]  }
0x2f: {  	lr =	sadd.s32 s0, s3;
	s0 =	sld [smem:$0x3FAE]  }
0x30: {  	s3 =	sld [smem:$0x3FB1]  }
0x31: {  	[smem:$0x3FBA] =	sst s10  }
0x32: {  	s10 =	sld [smem:$0x3FB8];
	_ =	sdelay $0x3  }
0x33: {  	p0 =	seq.s32 s10, $0x1;
	s10 =	sld [smem:$0x3FBA];
	_ =	sdelay $0x3  }
0x34: {  	[smem:$0x3FBA] =	sst s10  }
0x35: {  	s10 =	sld [smem:$0x3FB9];
	_ =	sdelay $0x3  }
0x36: {  	p1 =	seq.s32 s10, $0x1;
	s10 =	sld [smem:$0x3FBA];
	_ =	sdelay $0x3  }
0x37: {  	[smem:$0x3FBA] =	sst s10  }
0x38: {  	s10 =	sld [smem:$0x3FBB]  }
0x39: {  	_ = 	snop;
	(pc) =	sbr.ind lr, $3  }
0x3a: {  	_ = 	snop  }
0x3b: {  	_ = 	snop  }
0x3c: {  	p2 =	seq.s32 s10, $0x1;
	s10 =	sld [smem:$0x3FBA]  }
0x3d: {  	_ =	shalt  }
0x3e: {  	_ =	shalt  }
0x3f: {  	_ =	shalt  }
0x40: {  	_ =	shalt  }
0x41: {  	_ =	shalt  }
0x42: {  	_ =	shalt  }
0x43: {  	_ =	shalt  }
0x44: {  	_ =	shalt  }
0x45: {  	_ =	shalt  }
0x46: {  	_ =	shalt  }
0x47: {  	_ =	shalt  }
0x48: {  	_ =	shalt  }
0x49: {  	_ =	shalt  }
0x4a: {  	_ =	shalt  }
0x4b: {  	_ =	shalt  }
0x4c: {  	_ =	shalt  }
0x4d: {  	_ =	shalt  }
0x4e: {  	_ =	shalt  }
0x4f: {  	_ =	shalt  }
0x50: {  	_ =	shalt  }
0x51: {  	_ =	shalt  }
0x52: {  	_ =	shalt  }
0x53: {  	_ =	shalt  }
0x54: {  	_ =	shalt  }
0x55: {  	_ =	shalt  }
0x56: {  	_ =	shalt  }
0x57: {  	_ =	shalt  }
0x58: {  	_ =	shalt  }
0x59: {  	_ =	shalt  }
0x5a: {  	_ =	shalt  }
0x5b: {  	_ =	shalt  }
0x5c: {  	_ =	shalt  }
0x5d: {  	_ =	shalt  }
0x5e: {  	_ =	shalt  }
0x5f: {  	_ =	shalt  }
0x60: {  	_ =	shalt  }
0x61: {  	_ =	shalt  }
0x62: {  	_ =	shalt  }
0x63: {  	_ =	shalt  }
0x64: {  	_ =	shalt  }
0x65: {  	_ =	shalt  }
0x66: {  	_ =	shalt  }
0x67: {  	_ =	shalt  }
0x68: {  	_ =	shalt  }
0x69: {  	_ =	shalt  }
0x6a: {  	_ =	shalt  }
0x6b: {  	_ =	shalt  }
0x6c: {  	_ =	shalt  }
0x6d: {  	_ =	shalt  }
0x6e: {  	_ =	shalt  }
0x6f: {  	_ =	shalt  }
0x70: {  	_ =	shalt  }
0x71: {  	_ =	shalt  }
0x72: {  	_ =	shalt  }
0x73: {  	_ =	shalt  }
0x74: {  	_ =	shalt  }
0x75: {  	_ =	shalt  }
0x76: {  	_ =	shalt  }
0x77: {  	_ =	shalt  }
0x78: {  	_ =	shalt  }
0x79: {  	_ =	shalt  }
0x7a: {  	_ =	shalt  }
0x7b: {  	_ =	shalt  }
0x7c: {  	_ =	shalt  }
0x7d: {  	_ =	shalt  }
0x7e: {  	_ =	shalt  }
0x7f: {  	_ =	shalt  }
0x80: {  	_ =	shalt  }
0x81: {  	_ =	shalt  }
0x82: {  	_ =	shalt  }
0x83: {  	_ =	shalt  }
0x84: {  	_ =	shalt  }
0x85: {  	_ =	shalt  }
0x86: {  	_ =	shalt  }
0x87: {  	_ =	shalt  }
.Lfunc_end0:
.L_simem_size_0:
called_computation_lowered:
.L_overlay_start_0:
0x88: {  	s2 =	sld [smem:$0x3FD9]  }
0x89: {  	s3 =	sld [smem:$0x3FFE];
	_ =	sdelay $0x1  }
0x8a: {  	s1 =	srdreg.scid  }
0x8b: {  	s0 =	sand.u32 $0x1, s1  }
0x8c: {  	s18 =	sshll.u32 s0, $0xA;
	s2 =	sadd.s32 s3, s2  }
0x8d: {  	s2 =	sadd.s32 s2, s18  }
0x8e: {  	[smem:$0x3FC6] =	sst s2  }
0x8f: {  	_ = 	snop  }
0x90: {  	s2 =	sld [smem:$0x3FC9]  }
0x91: {  	s19 =	sld [smem:$0x3FC8]  }
0x92: {  	s4 =	sld [smem:$0x3FD0];
	(tm) =	ssettm $0x1  }
0x93: {  	s5 =	sld [smem:$0x3FFB];
	_ =	sdelay $0x3  }
0x94: {  	_ =	strace s5  }
0x95: {  	s5 =	sld [smem:$0x3FFC];
	_ =	sdelay $0x3  }
0x96: {  	_ =	strace s5  }
0x97: {  	s5 =	sld [smem:$0x3FFD];
	_ =	sdelay $0x3  }
0x98: {  	_ =	strace s5  }
0x99: {  	_ =	strace $0x8FFFFFFF  }
0x9a: {  	s20 =	sld [smem:$0x3FDB];
	_ =	sdelay $0x1  }
0x9b: {  	s6 =	simm.s32 $_scs_section_size  }
0x9c: {  	s7 =	simm.s32 $_size__tile_overlayer_lowered;
	s8 =	simm.s32 $_tile_overlayer_lowered  }
0x9d: {  	s23 =	simm.s32 $0x1BFF;
	s22 =	sshll.u32 s8, $0x1;
	s5 =	sadd.s32 s6, s20  }
0x9e: {  	s9 =	simm.s32 $0x0;
	s21 =	sshll.u32 s7, $0x1;
	s7 =	sadd.s32 s22, s5  }
0x9f: {  	[timem:s9], [sflag:s23] =	dma.local [hbm:s7], s21  }
0xa0: {  	_ =	swait.ge [sflag:s23], s21  }
0xa1: {  	s6 =	ssub.s32 $0x0, s21;
	[sflag:s23] =	ssyncset.done $0x0  }
0xa2: {  	[sflag:s23] =	ssyncadd.s32 s6;
	_ =	sdelay $0x1  }
0xa3: {  	s24 =	simm.s32 $0x1B8B  }
0xa4: {  	_ =	swait.ge [sflag:s24], $0x1  }
0xa5: {  	[sflag:s24] =	ssyncset.done $0x0  }
0xa6: {  	s25 =	simm.s32 $0x1B8E;
	[sflag:s24] =	ssyncadd.s32 $0xFFFFFFFF  }
0xa7: {  	s26 =	simm.s32 $execute0_lowered;
	[smem:$0x3FD2] =	sst s25  }
0xa8: {  	s6 =	sshll.u32 s26, $0x1;
	_ =	strace $0x80000046;
	[dreg:$0x1] =	wrdreg $0xFFFFFFFF  }
0xa9: {  	s28 =	simm.s32 $_size_execute0_lowered;
	s5 =	sadd.s32 s5, s6;
	[dreg:$0x0] =	wrdreg $0x0  }
0xaa: {  	s6 =	sshll.u32 s28, $0x1;
	[dreg:$0x2] =	wrdreg s5  }
0xab: {  	[dreg:$0x3] =	wrdreg s6  }
0xac: {  	[dreg:$0x4] =	wrdreg $0xC0  }
0xad: {  	_ =	task [dreg:s9], $0x5FFFF  }
0xae: {  	[dreg:$0x1] =	wrdreg $0xFFFFFFFF  }
0xaf: {  	[dreg:$0x0] =	wrdreg $0x60  }
0xb0: {  	[dreg:$0x2] =	wrdreg s2  }
0xb1: {  	[dreg:$0x3] =	wrdreg s19  }
0xb2: {  	[dreg:$0x4] =	wrdreg s4  }
0xb3: {  	[dreg:$0x5] =	wrdreg $0x9  }
0xb4: {  	_ =	task.clear_ibuf [dreg:s9], $0x6FFFF;
	_ =	strace $0x90000046  }
0xb5: {  	s29 =	simm.s32 $0x9;
	_ =	strace $0x80000048  }
0xb6: {  	_ =	swait.ge [sflag:s29], $0x1  }
0xb7: {  	[sflag:s29] =	ssyncadd.s32 $0xFFFFFFFF  }
0xb8: {  	_ =	strace $0x90000048  }
0xb9: {  	_ =	sfence  }
0xba: {  	s30 =	sld [smem:$0x0];
	_ =	sdelay $0x2  }
0xbb: {  	s31 =	sshll.u32 s1, $0xD;
	s1 =	sshrl.u32 s1, $0x2  }
0xbc: {  	s3 =	sand.u32 $0x4000, s31;
	s1 =	sadd.s32 s1, s30  }
0xbd: {  	s0 =	sor.u32 s3, s0;
	s1 =	sshll.u32 s1, $0x11  }
0xbe: {  	s0 =	sor.u32 s1, s0  }
0xbf: {  	s0 =	sadd.s32 $0x8F2B, s0  }
0xc0: {  	[sflag:s0] =	ssyncadd.remote.s32 $0x1  }
0xc1: {  	_ =	sfence.sel $0xFFFF  }
0xc2: {  	[dreg:$0x0] =	wrdreg $0xFFFFFFFF;
	(pc) =	sbr.abs _section_cstart, $3  }
0xc3: {  	[dreg:$0x1] =	wrdreg $0xFFFFFFFF  }
0xc4: {  	_ =	task.clear_ibuf [dreg:s9], $0x2FFFF;
	_ =	strace $0x9FFFFFFF  }
0xc5: {  	(tm) =	ssettm $0x7FFFFFFF  }
tec
execute0_lowered:
.L_overlay_start_1:
0x0: {  	(tag) =	ssettag $0x1  }
0x1: {  	s1 =	rddreg [dreg:$0x0];
	s2 =	srdreg.scid  }
0x2: {  	s4 =	rddreg [dreg:$0x1];
	s0 =	stileid.u32;
	s28 =	sand.u32 $0x1, s2  }
0x3: {  	s14 =	rddreg [dreg:$0x2];
	s5 =	sshll.u32 s0, $0xB;
	s6 =	sshll.u32 s28, $0xA  }
0x4: {  	s3 =	simm.s32 $0x0;
	s2 =	rddreg [dreg:$0x3];
	s15 =	sor.u32 s6, s5  }
0x5: {  	[smem:$0x7FF] =	sst s3;
	s5 =	sshrl.u32 s15, $0x3  }
0x6: {  	_ =	strace $0x80000047;
	s4 =	sadd.s32 s4, s5;
	s5 =	simm.s32 $0x3  }
0x7: {  	[tilespmem:s3], [sflag:$0x3] =	stream.linear.gather [hbm4b:s4+s3], $0x400, $0x38;
	[tilespmem:$0x10400] =	vst v63  }
0x8: {  	_ =	swait.ge [sflag:s5], $0x400  }
0x9: {  	[sflag:s5] =	ssyncset.done $0x0  }
0xa: {  	s7 =	simm.s32 $0x400;
	s6 =	simm.s32 $0x80;
	[sflag:s5] =	ssyncadd.s32 $0xFFFFFC00  }
0xb: {  	[tilespmem:s7], [sflag:$0x1] =	stream.indirect.gather [hbm4b:s1+s6], $0x80, s3, s6, $0xb8;
	[tilespmem:$0x10400] =	vst v63  }
0xc: {  	s8 =	simm.s32 $0x4400  }
0xd: {  	[tilespmem:s8], [sflag:$0x1] =	stream.indirect.gather [hbm4b:s1+s6], $0x80, s6, s6, $0xb8;
	[tilespmem:$0x10400] =	vst v63  }
0xe: {  	s9 =	simm.s32 $0x100;
	s10 =	simm.s32 $0x8400  }
0xf: {  	[tilespmem:s10], [sflag:$0x1] =	stream.indirect.gather [hbm4b:s1+s6], $0x80, s9, s6, $0xb8;
	[tilespmem:$0x10400] =	vst v63  }
0x10: {  	s11 =	simm.s32 $0x180;
	s12 =	simm.s32 $0xC400;
	s13 =	simm.s32 $0x1  }
0x11: {  	[tilespmem:s12], [sflag:$0x1] =	stream.indirect.gather [hbm4b:s1+s6], $0x80, s11, s6, $0xb8;
	[tilespmem:$0x10400] =	vst v63  }
0x12: {  	_ =	swait.ge [sflag:s13], $0x4000  }
0x13: {  	s15 =	sshll.u32 s15, $0x4;
	[sflag:s13] =	ssyncset.done $0x0  }
0x14: {  	s14 =	sadd.s32 s14, s15;
	[sflag:s13] =	ssyncadd.s32 $0xFFFFC000  }
0x15: {  	[hbm4b:s14+s3] =	stream.linear.scatter [tilespmem:s7], [sflag:$0x2], $0x4000, $0x38;
	[tilespmem:$0x10400] =	vst v63  }
0x16: {  	_ =	swait.ge [sflag:s13], $0x4000  }
0x17: {  	[sflag:s13] =	ssyncset.done $0x0  }
0x18: {  	s15 =	simm.s32 $0x2;
	s16 =	sadd.s32 $0x800, s14;
	[sflag:s13] =	ssyncadd.s32 $0xFFFFC000  }
0x19: {  	[hbm4b:s16+s3] =	stream.linear.scatter [tilespmem:s8], [sflag:$0x2], $0x4000, $0x38;
	[tilespmem:$0x10400] =	vst v63  }
0x1a: {  	_ =	swait.ge [sflag:s15], $0x4000  }
0x1b: {  	[sflag:s15] =	ssyncset.done $0x0  }
0x1c: {  	s17 =	simm.s32 $0x200;
	[sflag:s15] =	ssyncadd.s32 $0xFFFFC000  }
0x1d: {  	[tilespmem:s7], [sflag:$0x1] =	stream.indirect.gather [hbm4b:s1+s6], $0x80, s17, s6, $0xb8;
	[tilespmem:$0x10400] =	vst v63  }
0x1e: {  	_ =	swait.ge [sflag:s13], $0x4000  }
0x1f: {  	[sflag:s13] =	ssyncset.done $0x0  }
0x20: {  	s18 =	sadd.s32 $0x1000, s14;
	[sflag:s13] =	ssyncadd.s32 $0xFFFFC000  }
0x21: {  	[hbm4b:s18+s3] =	stream.linear.scatter [tilespmem:s10], [sflag:$0x2], $0x4000, $0x38;
	[tilespmem:$0x10400] =	vst v63  }
0x22: {  	_ =	swait.ge [sflag:s15], $0x4000  }
0x23: {  	[sflag:s15] =	ssyncset.done $0x0  }
0x24: {  	s19 =	simm.s32 $0x280;
	[sflag:s15] =	ssyncadd.s32 $0xFFFFC000  }
0x25: {  	[tilespmem:s8], [sflag:$0x1] =	stream.indirect.gather [hbm4b:s1+s6], $0x80, s19, s6, $0xb8;
	[tilespmem:$0x10400] =	vst v63  }
0x26: {  	_ =	swait.ge [sflag:s13], $0x4000  }
0x27: {  	[sflag:s13] =	ssyncset.done $0x0  }
0x28: {  	s20 =	sadd.s32 $0x1800, s14;
	[sflag:s13] =	ssyncadd.s32 $0xFFFFC000  }
0x29: {  	[hbm4b:s20+s3] =	stream.linear.scatter [tilespmem:s12], [sflag:$0x2], $0x4000, $0x38;
	[tilespmem:$0x10400] =	vst v63  }
0x2a: {  	_ =	swait.ge [sflag:s15], $0x4000  }
0x2b: {  	[sflag:s15] =	ssyncset.done $0x0  }
0x2c: {  	s21 =	simm.s32 $0x300;
	[sflag:s15] =	ssyncadd.s32 $0xFFFFC000  }
0x2d: {  	[tilespmem:s10], [sflag:$0x1] =	stream.indirect.gather [hbm4b:s1+s6], $0x80, s21, s6, $0xb8;
	[tilespmem:$0x10400] =	vst v63  }
0x2e: {  	_ =	swait.ge [sflag:s13], $0x4000  }
0x2f: {  	[sflag:s13] =	ssyncset.done $0x0  }
0x30: {  	s22 =	sadd.s32 $0x2000, s14;
	[sflag:s13] =	ssyncadd.s32 $0xFFFFC000  }
0x31: {  	[hbm4b:s22+s3] =	stream.linear.scatter [tilespmem:s7], [sflag:$0x2], $0x4000, $0x38;
	[tilespmem:$0x10400] =	vst v63  }
0x32: {  	_ =	swait.ge [sflag:s15], $0x4000  }
0x33: {  	[sflag:s15] =	ssyncset.done $0x0  }
0x34: {  	s23 =	simm.s32 $0x380;
	[sflag:s15] =	ssyncadd.s32 $0xFFFFC000  }
0x35: {  	[tilespmem:s12], [sflag:$0x1] =	stream.indirect.gather [hbm4b:s1+s6], $0x80, s23, s6, $0xb8;
	[tilespmem:$0x10400] =	vst v63  }
0x36: {  	_ =	swait.ge [sflag:s13], $0x4000  }
0x37: {  	[sflag:s13] =	ssyncset.done $0x0  }
0x38: {  	s24 =	sadd.s32 $0x2800, s14;
	[sflag:s13] =	ssyncadd.s32 $0xFFFFC000  }
0x39: {  	[hbm4b:s24+s3] =	stream.linear.scatter [tilespmem:s8], [sflag:$0x2], $0x4000, $0x38;
	[tilespmem:$0x10400] =	vst v63  }
0x3a: {  	_ =	swait.ge [sflag:s13], $0x4000  }
0x3b: {  	[sflag:s13] =	ssyncset.done $0x0  }
0x3c: {  	s25 =	sadd.s32 $0x3000, s14;
	[sflag:s13] =	ssyncadd.s32 $0xFFFFC000  }
0x3d: {  	[hbm4b:s25+s3] =	stream.linear.scatter [tilespmem:s10], [sflag:$0x2], $0x4000, $0x38;
	[tilespmem:$0x10400] =	vst v63  }
0x3e: {  	_ =	swait.ge [sflag:s13], $0x4000  }
0x3f: {  	[sflag:s13] =	ssyncset.done $0x0  }
0x40: {  	s26 =	sadd.s32 $0x3800, s14;
	[sflag:s13] =	ssyncadd.s32 $0xFFFFC000  }
0x41: {  	[hbm4b:s26+s3] =	stream.linear.scatter [tilespmem:s12], [sflag:$0x2], $0x4000, $0x38;
	[tilespmem:$0x10400] =	vst v63  }
0x42: {  	_ =	swait.ge [sflag:s15], $0x4000  }
0x43: {  	s28 =	ssub.s32 $0x2, s28;
	[sflag:s15] =	ssyncset.done $0x0  }
0x44: {  	s29 =	sshrl.u32 s28, $0x1;
	[sflag:s15] =	ssyncadd.s32 $0xFFFFC000  }
0x45: {  	s28 =	ssub.s32 s28, s29;
	_ =	swait.ge [sflag:s15], $0x4000  }
0x46: {  	s28 =	smax.u32 s28, $0x1;
	[sflag:s15] =	ssyncset.done $0x0  }
0x47: {  	p0 =	sne.s32 s28, $0x1;
	[sflag:s15] =	ssyncadd.s32 $0xFFFFC000  }
.Ltmp0:
0x48: {  	_ =	swait.ge [sflag:s15], $0x4000;
	(pc) =	sbr.rel @!p0 .LBB2_2-.Ltmp0, $4  }
0x49: {  	[sflag:s15] =	ssyncset.done $0x0  }
0x4a: {  	[sflag:s15] =	ssyncadd.s32 $0xFFFFC000  }
0x4b: {  	_ =	swait.ge [sflag:s15], $0x4000  }
0x4c: {  	s28 =	sadd.s32 $0xFFFFFFFF, s28;
	[sflag:s15] =	ssyncset.done $0x0  }
.LBB2_1:
0x4d: {  	p0 =	sne.s32 s28, $0x1;
	s28 =	sadd.s32 $0xFFFFFFFF, s28;
	[sflag:s15] =	ssyncadd.s32 $0xFFFFC000  }
0x4e: {  	[tilespmem:s3], [sflag:$0x3] =	stream.linear.gather [hbm4b:s4+s3], $0x400, $0x38;
	[tilespmem:$0x10400] =	vst v63  }
0x4f: {  	_ =	swait.ge [sflag:s5], $0x400  }
0x50: {  	[sflag:s5] =	ssyncset.done $0x0  }
0x51: {  	[sflag:s5] =	ssyncadd.s32 $0xFFFFFC00  }
0x52: {  	[tilespmem:s7], [sflag:$0x1] =	stream.indirect.gather [hbm4b:s1+s6], $0x80, s3, s6, $0xb8;
	[tilespmem:$0x10400] =	vst v63  }
0x53: {  	_ = 	snop  }
0x54: {  	[tilespmem:s8], [sflag:$0x1] =	stream.indirect.gather [hbm4b:s1+s6], $0x80, s6, s6, $0xb8;
	[tilespmem:$0x10400] =	vst v63  }
0x55: {  	_ = 	snop  }
0x56: {  	[tilespmem:s10], [sflag:$0x1] =	stream.indirect.gather [hbm4b:s1+s6], $0x80, s9, s6, $0xb8;
	[tilespmem:$0x10400] =	vst v63  }
0x57: {  	_ = 	snop  }
0x58: {  	[tilespmem:s12], [sflag:$0x1] =	stream.indirect.gather [hbm4b:s1+s6], $0x80, s11, s6, $0xb8;
	[tilespmem:$0x10400] =	vst v63  }
0x59: {  	_ =	swait.ge [sflag:s13], $0x4000  }
0x5a: {  	[sflag:s13] =	ssyncset.done $0x0  }
0x5b: {  	[sflag:s13] =	ssyncadd.s32 $0xFFFFC000  }
0x5c: {  	[hbm4b:s14+s3] =	stream.linear.scatter [tilespmem:s7], [sflag:$0x2], $0x4000, $0x38;
	[tilespmem:$0x10400] =	vst v63  }
0x5d: {  	_ =	swait.ge [sflag:s13], $0x4000  }
0x5e: {  	[sflag:s13] =	ssyncset.done $0x0  }
0x5f: {  	[sflag:s13] =	ssyncadd.s32 $0xFFFFC000  }
0x60: {  	[hbm4b:s16+s3] =	stream.linear.scatter [tilespmem:s8], [sflag:$0x2], $0x4000, $0x38;
	[tilespmem:$0x10400] =	vst v63  }
0x61: {  	_ =	swait.ge [sflag:s15], $0x4000  }
0x62: {  	[sflag:s15] =	ssyncset.done $0x0  }
0x63: {  	[sflag:s15] =	ssyncadd.s32 $0xFFFFC000  }
0x64: {  	[tilespmem:s7], [sflag:$0x1] =	stream.indirect.gather [hbm4b:s1+s6], $0x80, s17, s6, $0xb8;
	[tilespmem:$0x10400] =	vst v63  }
0x65: {  	_ =	swait.ge [sflag:s13], $0x4000  }
0x66: {  	[sflag:s13] =	ssyncset.done $0x0  }
0x67: {  	[sflag:s13] =	ssyncadd.s32 $0xFFFFC000  }
0x68: {  	[hbm4b:s18+s3] =	stream.linear.scatter [tilespmem:s10], [sflag:$0x2], $0x4000, $0x38;
	[tilespmem:$0x10400] =	vst v63  }
0x69: {  	_ =	swait.ge [sflag:s15], $0x4000  }
0x6a: {  	[sflag:s15] =	ssyncset.done $0x0  }
0x6b: {  	[sflag:s15] =	ssyncadd.s32 $0xFFFFC000  }
0x6c: {  	[tilespmem:s8], [sflag:$0x1] =	stream.indirect.gather [hbm4b:s1+s6], $0x80, s19, s6, $0xb8;
	[tilespmem:$0x10400] =	vst v63  }
0x6d: {  	_ =	swait.ge [sflag:s13], $0x4000  }
0x6e: {  	[sflag:s13] =	ssyncset.done $0x0  }
0x6f: {  	[sflag:s13] =	ssyncadd.s32 $0xFFFFC000  }
0x70: {  	[hbm4b:s20+s3] =	stream.linear.scatter [tilespmem:s12], [sflag:$0x2], $0x4000, $0x38;
	[tilespmem:$0x10400] =	vst v63  }
0x71: {  	_ =	swait.ge [sflag:s15], $0x4000  }
0x72: {  	[sflag:s15] =	ssyncset.done $0x0  }
0x73: {  	[sflag:s15] =	ssyncadd.s32 $0xFFFFC000  }
0x74: {  	[tilespmem:s10], [sflag:$0x1] =	stream.indirect.gather [hbm4b:s1+s6], $0x80, s21, s6, $0xb8;
	[tilespmem:$0x10400] =	vst v63  }
0x75: {  	_ =	swait.ge [sflag:s13], $0x4000  }
0x76: {  	[sflag:s13] =	ssyncset.done $0x0  }
0x77: {  	[sflag:s13] =	ssyncadd.s32 $0xFFFFC000  }
0x78: {  	[hbm4b:s22+s3] =	stream.linear.scatter [tilespmem:s7], [sflag:$0x2], $0x4000, $0x38;
	[tilespmem:$0x10400] =	vst v63  }
0x79: {  	_ =	swait.ge [sflag:s15], $0x4000  }
0x7a: {  	[sflag:s15] =	ssyncset.done $0x0  }
0x7b: {  	[sflag:s15] =	ssyncadd.s32 $0xFFFFC000  }
0x7c: {  	[tilespmem:s12], [sflag:$0x1] =	stream.indirect.gather [hbm4b:s1+s6], $0x80, s23, s6, $0xb8;
	[tilespmem:$0x10400] =	vst v63  }
0x7d: {  	_ =	swait.ge [sflag:s13], $0x4000  }
0x7e: {  	[sflag:s13] =	ssyncset.done $0x0  }
0x7f: {  	[sflag:s13] =	ssyncadd.s32 $0xFFFFC000  }
0x80: {  	[hbm4b:s24+s3] =	stream.linear.scatter [tilespmem:s8], [sflag:$0x2], $0x4000, $0x38;
	[tilespmem:$0x10400] =	vst v63  }
0x81: {  	_ =	swait.ge [sflag:s13], $0x4000  }
0x82: {  	[sflag:s13] =	ssyncset.done $0x0  }
0x83: {  	[sflag:s13] =	ssyncadd.s32 $0xFFFFC000  }
0x84: {  	[hbm4b:s25+s3] =	stream.linear.scatter [tilespmem:s10], [sflag:$0x2], $0x4000, $0x38;
	[tilespmem:$0x10400] =	vst v63  }
0x85: {  	_ =	swait.ge [sflag:s13], $0x4000  }
0x86: {  	[sflag:s13] =	ssyncset.done $0x0  }
0x87: {  	[sflag:s13] =	ssyncadd.s32 $0xFFFFC000  }
0x88: {  	[hbm4b:s26+s3] =	stream.linear.scatter [tilespmem:s12], [sflag:$0x2], $0x4000, $0x38;
	[tilespmem:$0x10400] =	vst v63  }
0x89: {  	_ =	swait.ge [sflag:s15], $0x4000  }
0x8a: {  	[sflag:s15] =	ssyncset.done $0x0  }
0x8b: {  	[sflag:s15] =	ssyncadd.s32 $0xFFFFC000  }
0x8c: {  	_ =	swait.ge [sflag:s15], $0x4000  }
0x8d: {  	[sflag:s15] =	ssyncset.done $0x0  }
0x8e: {  	[sflag:s15] =	ssyncadd.s32 $0xFFFFC000  }
.Ltmp1:
0x8f: {  	_ =	swait.ge [sflag:s15], $0x4000;
	(pc) =	sbr.rel @p0 .LBB2_1-.Ltmp1, $4  }
0x90: {  	[sflag:s15] =	ssyncset.done $0x0  }
0x91: {  	[sflag:s15] =	ssyncadd.s32 $0xFFFFC000  }
0x92: {  	_ =	swait.ge [sflag:s15], $0x4000  }
0x93: {  	[sflag:s15] =	ssyncset.done $0x0  }
.LBB2_2:
0x94: {  	[sflag:s15] =	ssyncadd.s32 $0xFFFFC000  }
0x95: {  	_ =	sfence.sel $0x180000  }
0x96: {  	[bflag:$0x0] =	sbarrier.arrive $0xFFFF  }
0x97: {  	p0 =	sne.s32 s0, $0x0;
	_ =	strace $0x90000047  }
0x98: {  	s0 =	sadd.s32 @!p0 $0x100000, s2;
	[bflag:$0x2] =	sbarrier.arrive $0xFFFF  }
0x99: {  	[sflag:s0] =	ssyncadd.tile.s32 @!p0 $0x1;
	_ =	shalt  }
.Lfunc_end2:
_tile_overlayer_lowered:
.L_overlay_start_2:
0x9a: {  	(tag) =	ssettag $0x2  }
0x9b: {  	s0 =	rddreg [dreg:$0x0];
	s2 =	stileid.u32  }
0x9c: {  	s1 =	rddreg [dreg:$0x1];
	p0 =	sne.s32 s2, $0x0  }
0x9d: {  	s3 =	rddreg [dreg:$0x2];
	[bflag:$0x3] =	sbarrier.arrive $0xFFFF;
	s2 =	simm.s32 @!p0 $0x1C03  }
0x9e: {  	[timem:s3], [sflag:s2] =	dma.local @!p0 [hbm:s0], s1  }
0x9f: {  	s0 =	simm.s32 @!p0 $0x3  }
0xa0: {  	_ =	swait.ge @!p0 [sflag:s0], s1  }
0xa1: {  	s1 =	ssub.s32 @!p0 $0x0, s1;
	[sflag:s0] =	ssyncset.done @!p0 $0x0  }
0xa2: {  	[sflag:s0] =	ssyncadd.s32 @!p0 s1  }
0xa3: {  	[bflag:$0x3] =	sbarrier.arrive $0xFFFF  }
0xa4: {  	_ =	shalt  }

</sc_bundles>
